<compile_context>
chip_gen: v7x
topology: tpu7x:2x2x1
jax: 0.10.2.dev20260603
libtpu: 0.0.44.dev20260713+nightly
codegen_flags: <defaults>
</compile_context>

<pallas_src>
import functools

import jax
import jax.numpy as jnp
from jax import lax
from jax.experimental import pallas as pl
from jax.experimental.pallas import tpu as pltpu
from jax.experimental.pallas import tpu_sc as plsc

_BEAT_LEN = 32
_EMB = 512
_NW = 32
_C = 80
_NBUF = 2
_L = 16


def _sc_body(per_w, n_groups,
             pos_hbm, beat_hbm, bar_hbm, out_hbm,
             pos_v, bidx, btidx, beat_v, rows, sem_g, sem_s):
    wid = lax.axis_index("s") * 2 + lax.axis_index("c")
    base_w = wid * per_w
    n_chunks = n_groups * _NBUF

    @pl.when(lax.axis_index("s") == 0)
    def _stage_beat():
        pltpu.sync_copy(beat_hbm, beat_v)

    plsc.subcore_barrier()

    def wait_bar(b):
        pltpu.make_async_copy(bar_hbm.at[bidx[b]], rows[b], sem_g[b]).wait()

    def beat_add(b):
        pltpu.async_copy(beat_v.at[btidx[b]], rows[b], sem_g[b], add=True)
        pltpu.make_async_copy(beat_v.at[btidx[b]], rows[b], sem_g[b]).wait()

    pltpu.sync_copy(pos_hbm.at[pl.ds(base_w, per_w)], pos_v)

    def group_body(g, carry):
        for b in range(_NBUF):
            i = g * _NBUF + b

            def drain_store(b=b, i=i):
                st = base_w + (i - _NBUF) * _C
                pltpu.make_async_copy(
                    rows[b], out_hbm.at[pl.ds(st, _C)], sem_s[b]).wait()

            pl.when(g >= 1)(drain_store)

            for q in range(_C // _L):
                src = pl.ds(i * _C + q * _L, _L)
                dst = pl.ds(q * _L, _L)
                p = pos_v[src]
                bidx[b][dst] = lax.shift_right_logical(p, 5)
                btidx[b][dst] = lax.bitwise_and(p, _BEAT_LEN - 1)
            pltpu.async_copy(bar_hbm.at[bidx[b]], rows[b], sem_g[b])

            b1 = (b - 1) % _NBUF

            def finish_prev(b1=b1, i=i):
                wait_bar(b1)
                beat_add(b1)
                st = base_w + (i - 1) * _C
                pltpu.async_copy(rows[b1], out_hbm.at[pl.ds(st, _C)],
                                 sem_s[b1])

            if b == 0:
                pl.when(g >= 1)(finish_prev)
            else:
                finish_prev()
        return carry

    lax.fori_loop(0, n_groups, group_body, 0)

    bl1 = (n_chunks - 1) % _NBUF
    wait_bar(bl1)
    beat_add(bl1)
    pltpu.sync_copy(rows[bl1],
                    out_hbm.at[pl.ds(base_w + (n_chunks - 1) * _C, _C)])
    for j in range(_NBUF, 1, -1):
        bd = (n_chunks - j) % _NBUF
        st = base_w + (n_chunks - j) * _C
        pltpu.make_async_copy(
            rows[bd], out_hbm.at[pl.ds(st, _C)], sem_s[bd]).wait()


def kernel(pos, beat_W, bar_W):
    b, s = pos.shape
    n = b * s
    per_w = n // _NW
    n_groups = per_w // (_C * _NBUF)
    assert per_w * _NW == n and n_groups * _C * _NBUF == per_w

    pos_flat = pos.reshape(n)
    beat_w0 = beat_W.at[0].set(0.0)
    bar_w0 = bar_W.at[0].set(0.0)

    mesh = plsc.VectorSubcoreMesh(core_axis_name="c", subcore_axis_name="s")

    def body(pos_hbm, beat_hbm, bar_hbm, out_hbm, pos_v, beat_v, *bufs):
        bidx = bufs[0:_NBUF]
        btidx = bufs[_NBUF:2 * _NBUF]
        rows = bufs[2 * _NBUF:3 * _NBUF]
        sem_g = bufs[3 * _NBUF:4 * _NBUF]
        sem_s = bufs[4 * _NBUF:5 * _NBUF]
        _sc_body(per_w, n_groups, pos_hbm, beat_hbm, bar_hbm, out_hbm,
                 pos_v, bidx, btidx, beat_v, rows, sem_g, sem_s)

    run = pl.kernel(
        body,
        out_type=jax.ShapeDtypeStruct((n, _EMB), jnp.float32),
        mesh=mesh,
        compiler_params=pltpu.CompilerParams(
            use_tc_tiling_on_sc=False, needs_layout_passes=False),
        scratch_types=(
            [pltpu.VMEM((per_w,), jnp.int32),
             pltpu.VMEM_SHARED((_BEAT_LEN, _EMB), jnp.float32)]
            + [pltpu.VMEM((_C,), jnp.int32) for _ in range(2 * _NBUF)]
            + [pltpu.VMEM((_C, _EMB), jnp.float32) for _ in range(_NBUF)]
            + [pltpu.SemaphoreType.DMA for _ in range(2 * _NBUF)]
        ),
    )
    out = run(pos_flat, beat_w0, bar_w0)
    return out.reshape(b, s, _EMB)

# --- scband reference (transcript-rebuilt; emitter-appended) ---
"""Pipeline reference for scband-beat-position-encoder-55825984913856 (READ-ONLY COPY).

The authoritative reference and input builder live on the scoring server;
editing this copy changes nothing except your own understanding.
"""

import jax, jax.numpy as jnp
import numpy as np

BEAT_LEN = 32
MAX_BAR_LEN = 21126
EMB_SZ = 512

def setup_inputs(seed: int = 0) -> dict:
    key = jax.random.key(seed)
    k_pos, k_beat, k_bar = jax.random.split(key, 3)
    pos = jax.random.randint(k_pos, (4096, 200), 0, BEAT_LEN * MAX_BAR_LEN, dtype=jnp.int32)
    beat_W = jax.random.normal(k_beat, (BEAT_LEN, EMB_SZ), dtype=jnp.float32) * 0.02
    bar_W = jax.random.normal(k_bar, (MAX_BAR_LEN, EMB_SZ), dtype=jnp.float32) * 0.02
    return {"pos": pos, "beat_W": beat_W, "bar_W": bar_W}

def reference(pos, beat_W, bar_W):
    # padding_idx=0 -> row 0 of each table is zero
    beat_W = beat_W.at[0].set(0.0)
    bar_W = bar_W.at[0].set(0.0)
    beat_idx = pos % BEAT_LEN
    bar_idx = (pos // BEAT_LEN) % MAX_BAR_LEN
    bar_idx = jnp.where(bar_idx >= MAX_BAR_LEN, MAX_BAR_LEN - 1, bar_idx)
    beat_enc = jnp.take(beat_W, beat_idx, axis=0)
    bar_enc = jnp.take(bar_W, bar_idx, axis=0)
    return beat_enc + bar_enc

if __name__ == "__main__":
    import jax
    _d = setup_inputs()
    print(jax.jit(kernel)(*tuple(_d.values())))

</pallas_src>

<mosaic_0001>
#map = affine_map<(d0, d1) -> (0)>
#map1 = affine_map<(d0, d1) -> (0, 0)>
module attributes {stable_mosaic.version = 14 : i64} {
  func.func @body(%arg0: i32, %arg1: i32, %arg2: memref<819200xi32, #tpu.memory_space<hbm>>, %arg3: memref<32x512xf32, #tpu.memory_space<hbm>>, %arg4: memref<21126x512xf32, #tpu.memory_space<hbm>>, %arg5: memref<819200x512xf32, #tpu.memory_space<hbm>>, %arg6: memref<25600xi32, #tpu.memory_space<vmem>>, %arg7: memref<32x512xf32, #tpu.memory_space<vmem_shared>>, %arg8: memref<80xi32, #tpu.memory_space<vmem>>, %arg9: memref<80xi32, #tpu.memory_space<vmem>>, %arg10: memref<80xi32, #tpu.memory_space<vmem>>, %arg11: memref<80xi32, #tpu.memory_space<vmem>>, %arg12: memref<80x512xf32, #tpu.memory_space<vmem>>, %arg13: memref<80x512xf32, #tpu.memory_space<vmem>>, %arg14: memref<!tpu.dma_semaphore, #tpu.memory_space<semaphore_mem>>, %arg15: memref<!tpu.dma_semaphore, #tpu.memory_space<semaphore_mem>>, %arg16: memref<!tpu.dma_semaphore, #tpu.memory_space<semaphore_mem>>, %arg17: memref<!tpu.dma_semaphore, #tpu.memory_space<semaphore_mem>>) attributes {dimension_semantics = [#tpu.dimension_semantics<core_parallel>, #tpu.dimension_semantics<subcore_parallel>], iteration_bounds = array<i64: 2, 16>, scalar_prefetch = 0 : i64, scratch_operands = 12 : i64, tpu.core_type = #tpu.core_type<sc_vector_subcore>, window_params = [{transform_indices = #map}, {transform_indices = #map1}, {transform_indices = #map1}, {transform_indices = #map1}]} {
    %mul3A = arith.constant 2 : i32
    %mul3A_0 = arith.muli %arg1, %mul3A : i32
    %add3A = arith.addi %mul3A_0, %arg0 : i32
    %mul3A_1 = arith.constant 25600 : i32
    %mul3A_2 = arith.muli %add3A, %mul3A_1 : i32
    %eq3A = arith.constant 0 : i32
    %eq3A_3 = arith.cmpi eq, %arg1, %eq3A : i32
    %convert_element_type3A = arith.extui %eq3A_3 : i1 to i32
    %cond3A = arith.constant 0 : i32
    %cond3A_4 = arith.cmpi ne, %convert_element_type3A, %cond3A : i32
    scf.if %cond3A_4 {
      "tpu.region"() ({
        %run_scoped3A = tpu.sem_alloc : memref<!tpu.dma_semaphore, #tpu.memory_space<semaphore_mem>>
        tpu.enqueue_dma source(%arg3 : memref<32x512xf32, #tpu.memory_space<hbm>>) target(%arg7 : memref<32x512xf32, #tpu.memory_space<vmem_shared>>) target_semaphore(%run_scoped3A : memref<!tpu.dma_semaphore, #tpu.memory_space<semaphore_mem>>)
        tpu.wait_dma2 semaphore(%run_scoped3A : memref<!tpu.dma_semaphore, #tpu.memory_space<semaphore_mem>>) src(%arg3 : memref<32x512xf32, #tpu.memory_space<hbm>>) dst(%arg7 : memref<32x512xf32, #tpu.memory_space<vmem_shared>>)
        tpu.yield
      }) : () -> ()
    } else {
    }
    %barrier3A = arith.constant 0 : index
    tpu.barrier barrier_id(%barrier3A)
    "tpu.region"() ({
      %run_scoped3A = tpu.sem_alloc : memref<!tpu.dma_semaphore, #tpu.memory_space<semaphore_mem>>
      %dma_start3A_25 = tpu.memref_slice %arg2[%mul3A_2] : memref<819200xi32, #tpu.memory_space<hbm>> -> memref<25600xi32, #tpu.memory_space<hbm>>
      %dma_start3A_26 = tpu.memref_slice %arg2[%mul3A_2] : memref<819200xi32, #tpu.memory_space<hbm>> -> memref<25600xi32, #tpu.memory_space<hbm>>
      tpu.enqueue_dma source(%dma_start3A_26 : memref<25600xi32, #tpu.memory_space<hbm>>) target(%arg6 : memref<25600xi32, #tpu.memory_space<vmem>>) target_semaphore(%run_scoped3A : memref<!tpu.dma_semaphore, #tpu.memory_space<semaphore_mem>>)
      %dma_wait3A_27 = tpu.memref_slice %arg2[%mul3A_2] : memref<819200xi32, #tpu.memory_space<hbm>> -> memref<25600xi32, #tpu.memory_space<hbm>>
      %dma_wait3A_28 = tpu.memref_slice %arg2[%mul3A_2] : memref<819200xi32, #tpu.memory_space<hbm>> -> memref<25600xi32, #tpu.memory_space<hbm>>
      tpu.wait_dma2 semaphore(%run_scoped3A : memref<!tpu.dma_semaphore, #tpu.memory_space<semaphore_mem>>) src(%dma_wait3A_28 : memref<25600xi32, #tpu.memory_space<hbm>>) dst(%arg6 : memref<25600xi32, #tpu.memory_space<vmem>>)
      tpu.yield
    }) : () -> ()
    %scan3A = arith.constant 0 : i32
    %scan3A_5 = arith.constant 0 : i32
    %scan3A_6 = arith.constant 160 : i32
    %scan3A_7 = arith.addi %scan3A_5, %scan3A_6 : i32
    %scan3A_8 = arith.constant 1 : i32
    scf.for %scan3A_25 = %scan3A_5 to %scan3A_7 step %scan3A_8  : i32 {
      %mul3A_26 = arith.constant 2 : i32
      %mul3A_27 = arith.muli %scan3A_25, %mul3A_26 : i32
      %add3A_28 = arith.constant 0 : i32
      %add3A_29 = arith.addi %mul3A_27, %add3A_28 : i32
      %ge3A = arith.constant 1 : i32
      %ge3A_30 = arith.cmpi sge, %scan3A_25, %ge3A : i32
      %convert_element_type3A_31 = arith.extui %ge3A_30 : i1 to i32
      %cond3A_32 = arith.constant 0 : i32
      %cond3A_33 = arith.cmpi ne, %convert_element_type3A_31, %cond3A_32 : i32
      scf.if %cond3A_33 {
        %sub3A_227 = arith.constant 2 : i32
        %sub3A_228 = arith.subi %add3A_29, %sub3A_227 : i32
        %mul3A_229 = arith.constant 80 : i32
        %mul3A_230 = arith.muli %sub3A_228, %mul3A_229 : i32
        %add3A_231 = arith.addi %mul3A_2, %mul3A_230 : i32
        %dma_wait3A_232 = arith.constant 0 : i32
        %dma_wait3A_233 = tpu.memref_slice %arg5[%add3A_231, %dma_wait3A_232] : memref<819200x512xf32, #tpu.memory_space<hbm>> -> memref<80x512xf32, #tpu.memory_space<hbm>>
        %dma_wait3A_234 = arith.constant 0 : i32
        %dma_wait3A_235 = tpu.memref_slice %arg5[%add3A_231, %dma_wait3A_234] : memref<819200x512xf32, #tpu.memory_space<hbm>> -> memref<80x512xf32, #tpu.memory_space<hbm>>
        tpu.wait_dma2 semaphore(%arg16 : memref<!tpu.dma_semaphore, #tpu.memory_space<semaphore_mem>>) src(%arg12 : memref<80x512xf32, #tpu.memory_space<vmem>>) dst(%dma_wait3A_235 : memref<80x512xf32, #tpu.memory_space<hbm>>)
      } else {
      }
      %mul3A_34 = arith.constant 80 : i32
      %mul3A_35 = arith.muli %add3A_29, %mul3A_34 : i32
      %add3A_36 = arith.constant 0 : i32
      %add3A_37 = arith.addi %mul3A_35, %add3A_36 : i32
      %get3A = arith.index_cast %add3A_37 : i32 to index
      %get3A_38 = tpu.vector_load %arg6[%get3A] {strides = array<i32>} : memref<25600xi32, #tpu.memory_space<vmem>>, vector<16xi32>,
      %shift_right_logical3A = arith.constant 5 : i32
      %shift_right_logical3A_39 = vector.broadcast %shift_right_logical3A : i32 to vector<16xi32>
      %shift_right_logical3A_40 = arith.shrui %get3A_38, %shift_right_logical3A_39 : vector<16xi32>
      %swap3A = arith.constant 0 : index
      %swap3A_41 = tpu.vector_load %arg8[%swap3A] {strides = array<i32>} : memref<80xi32, #tpu.memory_space<vmem>>, vector<16xi32>,
      tpu.vector_store %arg8[%swap3A], %shift_right_logical3A_40 {strides = array<i32>} : memref<80xi32, #tpu.memory_space<vmem>>, vector<16xi32>,
      %and3A = arith.constant 31 : i32
      %and3A_42 = vector.broadcast %and3A : i32 to vector<16xi32>
      %and3A_43 = arith.andi %get3A_38, %and3A_42 : vector<16xi32>
      %swap3A_44 = arith.constant 0 : index
      %swap3A_45 = tpu.vector_load %arg10[%swap3A_44] {strides = array<i32>} : memref<80xi32, #tpu.memory_space<vmem>>, vector<16xi32>,
      tpu.vector_store %arg10[%swap3A_44], %and3A_43 {strides = array<i32>} : memref<80xi32, #tpu.memory_space<vmem>>, vector<16xi32>,
      %mul3A_46 = arith.constant 80 : i32
      %mul3A_47 = arith.muli %add3A_29, %mul3A_46 : i32
      %add3A_48 = arith.constant 16 : i32
      %add3A_49 = arith.addi %mul3A_47, %add3A_48 : i32
      %get3A_50 = arith.index_cast %add3A_49 : i32 to index
      %get3A_51 = tpu.vector_load %arg6[%get3A_50] {strides = array<i32>} : memref<25600xi32, #tpu.memory_space<vmem>>, vector<16xi32>,
      %shift_right_logical3A_52 = arith.constant 5 : i32
      %shift_right_logical3A_53 = vector.broadcast %shift_right_logical3A_52 : i32 to vector<16xi32>
      %shift_right_logical3A_54 = arith.shrui %get3A_51, %shift_right_logical3A_53 : vector<16xi32>
      %swap3A_55 = arith.constant 16 : index
      %swap3A_56 = tpu.vector_load %arg8[%swap3A_55] {strides = array<i32>} : memref<80xi32, #tpu.memory_space<vmem>>, vector<16xi32>,
      tpu.vector_store %arg8[%swap3A_55], %shift_right_logical3A_54 {strides = array<i32>} : memref<80xi32, #tpu.memory_space<vmem>>, vector<16xi32>,
      %and3A_57 = arith.constant 31 : i32
      %and3A_58 = vector.broadcast %and3A_57 : i32 to vector<16xi32>
      %and3A_59 = arith.andi %get3A_51, %and3A_58 : vector<16xi32>
      %swap3A_60 = arith.constant 16 : index
      %swap3A_61 = tpu.vector_load %arg10[%swap3A_60] {strides = array<i32>} : memref<80xi32, #tpu.memory_space<vmem>>, vector<16xi32>,
      tpu.vector_store %arg10[%swap3A_60], %and3A_59 {strides = array<i32>} : memref<80xi32, #tpu.memory_space<vmem>>, vector<16xi32>,
      %mul3A_62 = arith.constant 80 : i32
      %mul3A_63 = arith.muli %add3A_29, %mul3A_62 : i32
      %add3A_64 = arith.constant 32 : i32
      %add3A_65 = arith.addi %mul3A_63, %add3A_64 : i32
      %get3A_66 = arith.index_cast %add3A_65 : i32 to index
      %get3A_67 = tpu.vector_load %arg6[%get3A_66] {strides = array<i32>} : memref<25600xi32, #tpu.memory_space<vmem>>, vector<16xi32>,
      %shift_right_logical3A_68 = arith.constant 5 : i32
      %shift_right_logical3A_69 = vector.broadcast %shift_right_logical3A_68 : i32 to vector<16xi32>
      %shift_right_logical3A_70 = arith.shrui %get3A_67, %shift_right_logical3A_69 : vector<16xi32>
      %swap3A_71 = arith.constant 32 : index
      %swap3A_72 = tpu.vector_load %arg8[%swap3A_71] {strides = array<i32>} : memref<80xi32, #tpu.memory_space<vmem>>, vector<16xi32>,
      tpu.vector_store %arg8[%swap3A_71], %shift_right_logical3A_70 {strides = array<i32>} : memref<80xi32, #tpu.memory_space<vmem>>, vector<16xi32>,
      %and3A_73 = arith.constant 31 : i32
      %and3A_74 = vector.broadcast %and3A_73 : i32 to vector<16xi32>
      %and3A_75 = arith.andi %get3A_67, %and3A_74 : vector<16xi32>
      %swap3A_76 = arith.constant 32 : index
      %swap3A_77 = tpu.vector_load %arg10[%swap3A_76] {strides = array<i32>} : memref<80xi32, #tpu.memory_space<vmem>>, vector<16xi32>,
      tpu.vector_store %arg10[%swap3A_76], %and3A_75 {strides = array<i32>} : memref<80xi32, #tpu.memory_space<vmem>>, vector<16xi32>,
      %mul3A_78 = arith.constant 80 : i32
      %mul3A_79 = arith.muli %add3A_29, %mul3A_78 : i32
      %add3A_80 = arith.constant 48 : i32
      %add3A_81 = arith.addi %mul3A_79, %add3A_80 : i32
      %get3A_82 = arith.index_cast %add3A_81 : i32 to index
      %get3A_83 = tpu.vector_load %arg6[%get3A_82] {strides = array<i32>} : memref<25600xi32, #tpu.memory_space<vmem>>, vector<16xi32>,
      %shift_right_logical3A_84 = arith.constant 5 : i32
      %shift_right_logical3A_85 = vector.broadcast %shift_right_logical3A_84 : i32 to vector<16xi32>
      %shift_right_logical3A_86 = arith.shrui %get3A_83, %shift_right_logical3A_85 : vector<16xi32>
      %swap3A_87 = arith.constant 48 : index
      %swap3A_88 = tpu.vector_load %arg8[%swap3A_87] {strides = array<i32>} : memref<80xi32, #tpu.memory_space<vmem>>, vector<16xi32>,
      tpu.vector_store %arg8[%swap3A_87], %shift_right_logical3A_86 {strides = array<i32>} : memref<80xi32, #tpu.memory_space<vmem>>, vector<16xi32>,
      %and3A_89 = arith.constant 31 : i32
      %and3A_90 = vector.broadcast %and3A_89 : i32 to vector<16xi32>
      %and3A_91 = arith.andi %get3A_83, %and3A_90 : vector<16xi32>
      %swap3A_92 = arith.constant 48 : index
      %swap3A_93 = tpu.vector_load %arg10[%swap3A_92] {strides = array<i32>} : memref<80xi32, #tpu.memory_space<vmem>>, vector<16xi32>,
      tpu.vector_store %arg10[%swap3A_92], %and3A_91 {strides = array<i32>} : memref<80xi32, #tpu.memory_space<vmem>>, vector<16xi32>,
      %mul3A_94 = arith.constant 80 : i32
      %mul3A_95 = arith.muli %add3A_29, %mul3A_94 : i32
      %add3A_96 = arith.constant 64 : i32
      %add3A_97 = arith.addi %mul3A_95, %add3A_96 : i32
      %get3A_98 = arith.index_cast %add3A_97 : i32 to index
      %get3A_99 = tpu.vector_load %arg6[%get3A_98] {strides = array<i32>} : memref<25600xi32, #tpu.memory_space<vmem>>, vector<16xi32>,
      %shift_right_logical3A_100 = arith.constant 5 : i32
      %shift_right_logical3A_101 = vector.broadcast %shift_right_logical3A_100 : i32 to vector<16xi32>
      %shift_right_logical3A_102 = arith.shrui %get3A_99, %shift_right_logical3A_101 : vector<16xi32>
      %swap3A_103 = arith.constant 64 : index
      %swap3A_104 = tpu.vector_load %arg8[%swap3A_103] {strides = array<i32>} : memref<80xi32, #tpu.memory_space<vmem>>, vector<16xi32>,
      tpu.vector_store %arg8[%swap3A_103], %shift_right_logical3A_102 {strides = array<i32>} : memref<80xi32, #tpu.memory_space<vmem>>, vector<16xi32>,
      %and3A_105 = arith.constant 31 : i32
      %and3A_106 = vector.broadcast %and3A_105 : i32 to vector<16xi32>
      %and3A_107 = arith.andi %get3A_99, %and3A_106 : vector<16xi32>
      %swap3A_108 = arith.constant 64 : index
      %swap3A_109 = tpu.vector_load %arg10[%swap3A_108] {strides = array<i32>} : memref<80xi32, #tpu.memory_space<vmem>>, vector<16xi32>,
      tpu.vector_store %arg10[%swap3A_108], %and3A_107 {strides = array<i32>} : memref<80xi32, #tpu.memory_space<vmem>>, vector<16xi32>,
      %dma_start3A_110 = arith.constant 0 : i32
      %dma_start3A_111 = arith.constant 0 : i32
      %dma_start3A_112 = tpu.memref_slice %arg4[%dma_start3A_110, %dma_start3A_111] : memref<21126x512xf32, #tpu.memory_space<hbm>> -> memref<21126x512xf32, #tpu.memory_space<hbm>>
      tpu.enqueue_indirect_dma source(%dma_start3A_112 : memref<21126x512xf32, #tpu.memory_space<hbm>>) target(%arg12 : memref<80x512xf32, #tpu.memory_space<vmem>>) offsets(%arg8 : memref<80xi32, #tpu.memory_space<vmem>>) semaphore(%arg14 : memref<!tpu.dma_semaphore, #tpu.memory_space<semaphore_mem>>)
      %ge3A_113 = arith.constant 1 : i32
      %ge3A_114 = arith.cmpi sge, %scan3A_25, %ge3A_113 : i32
      %convert_element_type3A_115 = arith.extui %ge3A_114 : i1 to i32
      %cond3A_116 = arith.constant 0 : i32
      %cond3A_117 = arith.cmpi ne, %convert_element_type3A_115, %cond3A_116 : i32
      scf.if %cond3A_117 {
        %dma_wait3A_227 = arith.constant 0 : i32
        %dma_wait3A_228 = arith.constant 0 : i32
        %dma_wait3A_229 = tpu.memref_slice %arg4[%dma_wait3A_227, %dma_wait3A_228] : memref<21126x512xf32, #tpu.memory_space<hbm>> -> memref<21126x512xf32, #tpu.memory_space<hbm>>
        tpu.wait_indirect_dma semaphore(%arg15 : memref<!tpu.dma_semaphore, #tpu.memory_space<semaphore_mem>>) src(%dma_wait3A_229 : memref<21126x512xf32, #tpu.memory_space<hbm>>) dst(%arg13 : memref<80x512xf32, #tpu.memory_space<vmem>>)
        %dma_start3A_230 = arith.constant 0 : i32
        %dma_start3A_231 = arith.constant 0 : i32
        %dma_start3A_232 = tpu.memref_slice %arg7[%dma_start3A_230, %dma_start3A_231] : memref<32x512xf32, #tpu.memory_space<vmem_shared>> -> memref<32x512xf32, #tpu.memory_space<vmem_shared>>
        tpu.enqueue_indirect_dma source(%dma_start3A_232 : memref<32x512xf32, #tpu.memory_space<vmem_shared>>) target(%arg13 : memref<80x512xf32, #tpu.memory_space<vmem>>) offsets(%arg11 : memref<80xi32, #tpu.memory_space<vmem>>) semaphore(%arg15 : memref<!tpu.dma_semaphore, #tpu.memory_space<semaphore_mem>>) {add = true}
        %dma_wait3A_233 = arith.constant 0 : i32
        %dma_wait3A_234 = arith.constant 0 : i32
        %dma_wait3A_235 = tpu.memref_slice %arg7[%dma_wait3A_233, %dma_wait3A_234] : memref<32x512xf32, #tpu.memory_space<vmem_shared>> -> memref<32x512xf32, #tpu.memory_space<vmem_shared>>
        tpu.wait_indirect_dma semaphore(%arg15 : memref<!tpu.dma_semaphore, #tpu.memory_space<semaphore_mem>>) src(%dma_wait3A_235 : memref<32x512xf32, #tpu.memory_space<vmem_shared>>) dst(%arg13 : memref<80x512xf32, #tpu.memory_space<vmem>>)
        %sub3A_236 = arith.constant 1 : i32
        %sub3A_237 = arith.subi %add3A_29, %sub3A_236 : i32
        %mul3A_238 = arith.constant 80 : i32
        %mul3A_239 = arith.muli %sub3A_237, %mul3A_238 : i32
        %add3A_240 = arith.addi %mul3A_2, %mul3A_239 : i32
        %dma_start3A_241 = arith.constant 0 : i32
        %dma_start3A_242 = tpu.memref_slice %arg5[%add3A_240, %dma_start3A_241] : memref<819200x512xf32, #tpu.memory_space<hbm>> -> memref<80x512xf32, #tpu.memory_space<hbm>>
        %dma_start3A_243 = arith.constant 0 : i32
        %dma_start3A_244 = tpu.memref_slice %arg5[%add3A_240, %dma_start3A_243] : memref<819200x512xf32, #tpu.memory_space<hbm>> -> memref<80x512xf32, #tpu.memory_space<hbm>>
        tpu.enqueue_dma source(%arg13 : memref<80x512xf32, #tpu.memory_space<vmem>>) target(%dma_start3A_244 : memref<80x512xf32, #tpu.memory_space<hbm>>) target_semaphore(%arg17 : memref<!tpu.dma_semaphore, #tpu.memory_space<semaphore_mem>>)
      } else {
      }
      %mul3A_118 = arith.constant 2 : i32
      %mul3A_119 = arith.muli %scan3A_25, %mul3A_118 : i32
      %add3A_120 = arith.constant 1 : i32
      %add3A_121 = arith.addi %mul3A_119, %add3A_120 : i32
      %ge3A_122 = arith.constant 1 : i32
      %ge3A_123 = arith.cmpi sge, %scan3A_25, %ge3A_122 : i32
      %convert_element_type3A_124 = arith.extui %ge3A_123 : i1 to i32
      %cond3A_125 = arith.constant 0 : i32
      %cond3A_126 = arith.cmpi ne, %convert_element_type3A_124, %cond3A_125 : i32
      scf.if %cond3A_126 {
        %sub3A_227 = arith.constant 2 : i32
        %sub3A_228 = arith.subi %add3A_121, %sub3A_227 : i32
        %mul3A_229 = arith.constant 80 : i32
        %mul3A_230 = arith.muli %sub3A_228, %mul3A_229 : i32
        %add3A_231 = arith.addi %mul3A_2, %mul3A_230 : i32
        %dma_wait3A_232 = arith.constant 0 : i32
        %dma_wait3A_233 = tpu.memref_slice %arg5[%add3A_231, %dma_wait3A_232] : memref<819200x512xf32, #tpu.memory_space<hbm>> -> memref<80x512xf32, #tpu.memory_space<hbm>>
        %dma_wait3A_234 = arith.constant 0 : i32
        %dma_wait3A_235 = tpu.memref_slice %arg5[%add3A_231, %dma_wait3A_234] : memref<819200x512xf32, #tpu.memory_space<hbm>> -> memref<80x512xf32, #tpu.memory_space<hbm>>
        tpu.wait_dma2 semaphore(%arg17 : memref<!tpu.dma_semaphore, #tpu.memory_space<semaphore_mem>>) src(%arg13 : memref<80x512xf32, #tpu.memory_space<vmem>>) dst(%dma_wait3A_235 : memref<80x512xf32, #tpu.memory_space<hbm>>)
      } else {
      }
      %mul3A_127 = arith.constant 80 : i32
      %mul3A_128 = arith.muli %add3A_121, %mul3A_127 : i32
      %add3A_129 = arith.constant 0 : i32
      %add3A_130 = arith.addi %mul3A_128, %add3A_129 : i32
      %get3A_131 = arith.index_cast %add3A_130 : i32 to index
      %get3A_132 = tpu.vector_load %arg6[%get3A_131] {strides = array<i32>} : memref<25600xi32, #tpu.memory_space<vmem>>, vector<16xi32>,
      %shift_right_logical3A_133 = arith.constant 5 : i32
      %shift_right_logical3A_134 = vector.broadcast %shift_right_logical3A_133 : i32 to vector<16xi32>
      %shift_right_logical3A_135 = arith.shrui %get3A_132, %shift_right_logical3A_134 : vector<16xi32>
      %swap3A_136 = arith.constant 0 : index
      %swap3A_137 = tpu.vector_load %arg9[%swap3A_136] {strides = array<i32>} : memref<80xi32, #tpu.memory_space<vmem>>, vector<16xi32>,
      tpu.vector_store %arg9[%swap3A_136], %shift_right_logical3A_135 {strides = array<i32>} : memref<80xi32, #tpu.memory_space<vmem>>, vector<16xi32>,
      %and3A_138 = arith.constant 31 : i32
      %and3A_139 = vector.broadcast %and3A_138 : i32 to vector<16xi32>
      %and3A_140 = arith.andi %get3A_132, %and3A_139 : vector<16xi32>
      %swap3A_141 = arith.constant 0 : index
      %swap3A_142 = tpu.vector_load %arg11[%swap3A_141] {strides = array<i32>} : memref<80xi32, #tpu.memory_space<vmem>>, vector<16xi32>,
      tpu.vector_store %arg11[%swap3A_141], %and3A_140 {strides = array<i32>} : memref<80xi32, #tpu.memory_space<vmem>>, vector<16xi32>,
      %mul3A_143 = arith.constant 80 : i32
      %mul3A_144 = arith.muli %add3A_121, %mul3A_143 : i32
      %add3A_145 = arith.constant 16 : i32
      %add3A_146 = arith.addi %mul3A_144, %add3A_145 : i32
      %get3A_147 = arith.index_cast %add3A_146 : i32 to index
      %get3A_148 = tpu.vector_load %arg6[%get3A_147] {strides = array<i32>} : memref<25600xi32, #tpu.memory_space<vmem>>, vector<16xi32>,
      %shift_right_logical3A_149 = arith.constant 5 : i32
      %shift_right_logical3A_150 = vector.broadcast %shift_right_logical3A_149 : i32 to vector<16xi32>
      %shift_right_logical3A_151 = arith.shrui %get3A_148, %shift_right_logical3A_150 : vector<16xi32>
      %swap3A_152 = arith.constant 16 : index
      %swap3A_153 = tpu.vector_load %arg9[%swap3A_152] {strides = array<i32>} : memref<80xi32, #tpu.memory_space<vmem>>, vector<16xi32>,
      tpu.vector_store %arg9[%swap3A_152], %shift_right_logical3A_151 {strides = array<i32>} : memref<80xi32, #tpu.memory_space<vmem>>, vector<16xi32>,
      %and3A_154 = arith.constant 31 : i32
      %and3A_155 = vector.broadcast %and3A_154 : i32 to vector<16xi32>
      %and3A_156 = arith.andi %get3A_148, %and3A_155 : vector<16xi32>
      %swap3A_157 = arith.constant 16 : index
      %swap3A_158 = tpu.vector_load %arg11[%swap3A_157] {strides = array<i32>} : memref<80xi32, #tpu.memory_space<vmem>>, vector<16xi32>,
      tpu.vector_store %arg11[%swap3A_157], %and3A_156 {strides = array<i32>} : memref<80xi32, #tpu.memory_space<vmem>>, vector<16xi32>,
      %mul3A_159 = arith.constant 80 : i32
      %mul3A_160 = arith.muli %add3A_121, %mul3A_159 : i32
      %add3A_161 = arith.constant 32 : i32
      %add3A_162 = arith.addi %mul3A_160, %add3A_161 : i32
      %get3A_163 = arith.index_cast %add3A_162 : i32 to index
      %get3A_164 = tpu.vector_load %arg6[%get3A_163] {strides = array<i32>} : memref<25600xi32, #tpu.memory_space<vmem>>, vector<16xi32>,
      %shift_right_logical3A_165 = arith.constant 5 : i32
      %shift_right_logical3A_166 = vector.broadcast %shift_right_logical3A_165 : i32 to vector<16xi32>
      %shift_right_logical3A_167 = arith.shrui %get3A_164, %shift_right_logical3A_166 : vector<16xi32>
      %swap3A_168 = arith.constant 32 : index
      %swap3A_169 = tpu.vector_load %arg9[%swap3A_168] {strides = array<i32>} : memref<80xi32, #tpu.memory_space<vmem>>, vector<16xi32>,
      tpu.vector_store %arg9[%swap3A_168], %shift_right_logical3A_167 {strides = array<i32>} : memref<80xi32, #tpu.memory_space<vmem>>, vector<16xi32>,
      %and3A_170 = arith.constant 31 : i32
      %and3A_171 = vector.broadcast %and3A_170 : i32 to vector<16xi32>
      %and3A_172 = arith.andi %get3A_164, %and3A_171 : vector<16xi32>
      %swap3A_173 = arith.constant 32 : index
      %swap3A_174 = tpu.vector_load %arg11[%swap3A_173] {strides = array<i32>} : memref<80xi32, #tpu.memory_space<vmem>>, vector<16xi32>,
      tpu.vector_store %arg11[%swap3A_173], %and3A_172 {strides = array<i32>} : memref<80xi32, #tpu.memory_space<vmem>>, vector<16xi32>,
      %mul3A_175 = arith.constant 80 : i32
      %mul3A_176 = arith.muli %add3A_121, %mul3A_175 : i32
      %add3A_177 = arith.constant 48 : i32
      %add3A_178 = arith.addi %mul3A_176, %add3A_177 : i32
      %get3A_179 = arith.index_cast %add3A_178 : i32 to index
      %get3A_180 = tpu.vector_load %arg6[%get3A_179] {strides = array<i32>} : memref<25600xi32, #tpu.memory_space<vmem>>, vector<16xi32>,
      %shift_right_logical3A_181 = arith.constant 5 : i32
      %shift_right_logical3A_182 = vector.broadcast %shift_right_logical3A_181 : i32 to vector<16xi32>
      %shift_right_logical3A_183 = arith.shrui %get3A_180, %shift_right_logical3A_182 : vector<16xi32>
      %swap3A_184 = arith.constant 48 : index
      %swap3A_185 = tpu.vector_load %arg9[%swap3A_184] {strides = array<i32>} : memref<80xi32, #tpu.memory_space<vmem>>, vector<16xi32>,
      tpu.vector_store %arg9[%swap3A_184], %shift_right_logical3A_183 {strides = array<i32>} : memref<80xi32, #tpu.memory_space<vmem>>, vector<16xi32>,
      %and3A_186 = arith.constant 31 : i32
      %and3A_187 = vector.broadcast %and3A_186 : i32 to vector<16xi32>
      %and3A_188 = arith.andi %get3A_180, %and3A_187 : vector<16xi32>
      %swap3A_189 = arith.constant 48 : index
      %swap3A_190 = tpu.vector_load %arg11[%swap3A_189] {strides = array<i32>} : memref<80xi32, #tpu.memory_space<vmem>>, vector<16xi32>,
      tpu.vector_store %arg11[%swap3A_189], %and3A_188 {strides = array<i32>} : memref<80xi32, #tpu.memory_space<vmem>>, vector<16xi32>,
      %mul3A_191 = arith.constant 80 : i32
      %mul3A_192 = arith.muli %add3A_121, %mul3A_191 : i32
      %add3A_193 = arith.constant 64 : i32
      %add3A_194 = arith.addi %mul3A_192, %add3A_193 : i32
      %get3A_195 = arith.index_cast %add3A_194 : i32 to index
      %get3A_196 = tpu.vector_load %arg6[%get3A_195] {strides = array<i32>} : memref<25600xi32, #tpu.memory_space<vmem>>, vector<16xi32>,
      %shift_right_logical3A_197 = arith.constant 5 : i32
      %shift_right_logical3A_198 = vector.broadcast %shift_right_logical3A_197 : i32 to vector<16xi32>
      %shift_right_logical3A_199 = arith.shrui %get3A_196, %shift_right_logical3A_198 : vector<16xi32>
      %swap3A_200 = arith.constant 64 : index
      %swap3A_201 = tpu.vector_load %arg9[%swap3A_200] {strides = array<i32>} : memref<80xi32, #tpu.memory_space<vmem>>, vector<16xi32>,
      tpu.vector_store %arg9[%swap3A_200], %shift_right_logical3A_199 {strides = array<i32>} : memref<80xi32, #tpu.memory_space<vmem>>, vector<16xi32>,
      %and3A_202 = arith.constant 31 : i32
      %and3A_203 = vector.broadcast %and3A_202 : i32 to vector<16xi32>
      %and3A_204 = arith.andi %get3A_196, %and3A_203 : vector<16xi32>
      %swap3A_205 = arith.constant 64 : index
      %swap3A_206 = tpu.vector_load %arg11[%swap3A_205] {strides = array<i32>} : memref<80xi32, #tpu.memory_space<vmem>>, vector<16xi32>,
      tpu.vector_store %arg11[%swap3A_205], %and3A_204 {strides = array<i32>} : memref<80xi32, #tpu.memory_space<vmem>>, vector<16xi32>,
      %dma_start3A_207 = arith.constant 0 : i32
      %dma_start3A_208 = arith.constant 0 : i32
      %dma_start3A_209 = tpu.memref_slice %arg4[%dma_start3A_207, %dma_start3A_208] : memref<21126x512xf32, #tpu.memory_space<hbm>> -> memref<21126x512xf32, #tpu.memory_space<hbm>>
      tpu.enqueue_indirect_dma source(%dma_start3A_209 : memref<21126x512xf32, #tpu.memory_space<hbm>>) target(%arg13 : memref<80x512xf32, #tpu.memory_space<vmem>>) offsets(%arg9 : memref<80xi32, #tpu.memory_space<vmem>>) semaphore(%arg15 : memref<!tpu.dma_semaphore, #tpu.memory_space<semaphore_mem>>)
      %dma_wait3A_210 = arith.constant 0 : i32
      %dma_wait3A_211 = arith.constant 0 : i32
      %dma_wait3A_212 = tpu.memref_slice %arg4[%dma_wait3A_210, %dma_wait3A_211] : memref<21126x512xf32, #tpu.memory_space<hbm>> -> memref<21126x512xf32, #tpu.memory_space<hbm>>
      tpu.wait_indirect_dma semaphore(%arg14 : memref<!tpu.dma_semaphore, #tpu.memory_space<semaphore_mem>>) src(%dma_wait3A_212 : memref<21126x512xf32, #tpu.memory_space<hbm>>) dst(%arg12 : memref<80x512xf32, #tpu.memory_space<vmem>>)
      %dma_start3A_213 = arith.constant 0 : i32
      %dma_start3A_214 = arith.constant 0 : i32
      %dma_start3A_215 = tpu.memref_slice %arg7[%dma_start3A_213, %dma_start3A_214] : memref<32x512xf32, #tpu.memory_space<vmem_shared>> -> memref<32x512xf32, #tpu.memory_space<vmem_shared>>
      tpu.enqueue_indirect_dma source(%dma_start3A_215 : memref<32x512xf32, #tpu.memory_space<vmem_shared>>) target(%arg12 : memref<80x512xf32, #tpu.memory_space<vmem>>) offsets(%arg10 : memref<80xi32, #tpu.memory_space<vmem>>) semaphore(%arg14 : memref<!tpu.dma_semaphore, #tpu.memory_space<semaphore_mem>>) {add = true}
      %dma_wait3A_216 = arith.constant 0 : i32
      %dma_wait3A_217 = arith.constant 0 : i32
      %dma_wait3A_218 = tpu.memref_slice %arg7[%dma_wait3A_216, %dma_wait3A_217] : memref<32x512xf32, #tpu.memory_space<vmem_shared>> -> memref<32x512xf32, #tpu.memory_space<vmem_shared>>
      tpu.wait_indirect_dma semaphore(%arg14 : memref<!tpu.dma_semaphore, #tpu.memory_space<semaphore_mem>>) src(%dma_wait3A_218 : memref<32x512xf32, #tpu.memory_space<vmem_shared>>) dst(%arg12 : memref<80x512xf32, #tpu.memory_space<vmem>>)
      %sub3A = arith.constant 1 : i32
      %sub3A_219 = arith.subi %add3A_121, %sub3A : i32
      %mul3A_220 = arith.constant 80 : i32
      %mul3A_221 = arith.muli %sub3A_219, %mul3A_220 : i32
      %add3A_222 = arith.addi %mul3A_2, %mul3A_221 : i32
      %dma_start3A_223 = arith.constant 0 : i32
      %dma_start3A_224 = tpu.memref_slice %arg5[%add3A_222, %dma_start3A_223] : memref<819200x512xf32, #tpu.memory_space<hbm>> -> memref<80x512xf32, #tpu.memory_space<hbm>>
      %dma_start3A_225 = arith.constant 0 : i32
      %dma_start3A_226 = tpu.memref_slice %arg5[%add3A_222, %dma_start3A_225] : memref<819200x512xf32, #tpu.memory_space<hbm>> -> memref<80x512xf32, #tpu.memory_space<hbm>>
      tpu.enqueue_dma source(%arg12 : memref<80x512xf32, #tpu.memory_space<vmem>>) target(%dma_start3A_226 : memref<80x512xf32, #tpu.memory_space<hbm>>) target_semaphore(%arg16 : memref<!tpu.dma_semaphore, #tpu.memory_space<semaphore_mem>>)
    }
    %scan3A_9 = arith.constant 160 : i32
    %dma_wait3A = arith.constant 0 : i32
    %dma_wait3A_10 = arith.constant 0 : i32
    %dma_wait3A_11 = tpu.memref_slice %arg4[%dma_wait3A, %dma_wait3A_10] : memref<21126x512xf32, #tpu.memory_space<hbm>> -> memref<21126x512xf32, #tpu.memory_space<hbm>>
    tpu.wait_indirect_dma semaphore(%arg15 : memref<!tpu.dma_semaphore, #tpu.memory_space<semaphore_mem>>) src(%dma_wait3A_11 : memref<21126x512xf32, #tpu.memory_space<hbm>>) dst(%arg13 : memref<80x512xf32, #tpu.memory_space<vmem>>)
    %dma_start3A = arith.constant 0 : i32
    %dma_start3A_12 = arith.constant 0 : i32
    %dma_start3A_13 = tpu.memref_slice %arg7[%dma_start3A, %dma_start3A_12] : memref<32x512xf32, #tpu.memory_space<vmem_shared>> -> memref<32x512xf32, #tpu.memory_space<vmem_shared>>
    tpu.enqueue_indirect_dma source(%dma_start3A_13 : memref<32x512xf32, #tpu.memory_space<vmem_shared>>) target(%arg13 : memref<80x512xf32, #tpu.memory_space<vmem>>) offsets(%arg11 : memref<80xi32, #tpu.memory_space<vmem>>) semaphore(%arg15 : memref<!tpu.dma_semaphore, #tpu.memory_space<semaphore_mem>>) {add = true}
    %dma_wait3A_14 = arith.constant 0 : i32
    %dma_wait3A_15 = arith.constant 0 : i32
    %dma_wait3A_16 = tpu.memref_slice %arg7[%dma_wait3A_14, %dma_wait3A_15] : memref<32x512xf32, #tpu.memory_space<vmem_shared>> -> memref<32x512xf32, #tpu.memory_space<vmem_shared>>
    tpu.wait_indirect_dma semaphore(%arg15 : memref<!tpu.dma_semaphore, #tpu.memory_space<semaphore_mem>>) src(%dma_wait3A_16 : memref<32x512xf32, #tpu.memory_space<vmem_shared>>) dst(%arg13 : memref<80x512xf32, #tpu.memory_space<vmem>>)
    %add3A_17 = arith.constant 25520 : i32
    %add3A_18 = arith.addi %mul3A_2, %add3A_17 : i32
    "tpu.region"() ({
      %run_scoped3A = tpu.sem_alloc : memref<!tpu.dma_semaphore, #tpu.memory_space<semaphore_mem>>
      %dma_start3A_25 = arith.constant 0 : i32
      %dma_start3A_26 = tpu.memref_slice %arg5[%add3A_18, %dma_start3A_25] : memref<819200x512xf32, #tpu.memory_space<hbm>> -> memref<80x512xf32, #tpu.memory_space<hbm>>
      %dma_start3A_27 = arith.constant 0 : i32
      %dma_start3A_28 = tpu.memref_slice %arg5[%add3A_18, %dma_start3A_27] : memref<819200x512xf32, #tpu.memory_space<hbm>> -> memref<80x512xf32, #tpu.memory_space<hbm>>
      tpu.enqueue_dma source(%arg13 : memref<80x512xf32, #tpu.memory_space<vmem>>) target(%dma_start3A_28 : memref<80x512xf32, #tpu.memory_space<hbm>>) target_semaphore(%run_scoped3A : memref<!tpu.dma_semaphore, #tpu.memory_space<semaphore_mem>>)
      %dma_wait3A_29 = arith.constant 0 : i32
      %dma_wait3A_30 = tpu.memref_slice %arg5[%add3A_18, %dma_wait3A_29] : memref<819200x512xf32, #tpu.memory_space<hbm>> -> memref<80x512xf32, #tpu.memory_space<hbm>>
      %dma_wait3A_31 = arith.constant 0 : i32
      %dma_wait3A_32 = tpu.memref_slice %arg5[%add3A_18, %dma_wait3A_31] : memref<819200x512xf32, #tpu.memory_space<hbm>> -> memref<80x512xf32, #tpu.memory_space<hbm>>
      tpu.wait_dma2 semaphore(%run_scoped3A : memref<!tpu.dma_semaphore, #tpu.memory_space<semaphore_mem>>) src(%arg13 : memref<80x512xf32, #tpu.memory_space<vmem>>) dst(%dma_wait3A_32 : memref<80x512xf32, #tpu.memory_space<hbm>>)
      tpu.yield
    }) : () -> ()
    %add3A_19 = arith.constant 25440 : i32
    %add3A_20 = arith.addi %mul3A_2, %add3A_19 : i32
    %dma_wait3A_21 = arith.constant 0 : i32
    %dma_wait3A_22 = tpu.memref_slice %arg5[%add3A_20, %dma_wait3A_21] : memref<819200x512xf32, #tpu.memory_space<hbm>> -> memref<80x512xf32, #tpu.memory_space<hbm>>
    %dma_wait3A_23 = arith.constant 0 : i32
    %dma_wait3A_24 = tpu.memref_slice %arg5[%add3A_20, %dma_wait3A_23] : memref<819200x512xf32, #tpu.memory_space<hbm>> -> memref<80x512xf32, #tpu.memory_space<hbm>>
    tpu.wait_dma2 semaphore(%arg16 : memref<!tpu.dma_semaphore, #tpu.memory_space<semaphore_mem>>) src(%arg12 : memref<80x512xf32, #tpu.memory_space<vmem>>) dst(%dma_wait3A_24 : memref<80x512xf32, #tpu.memory_space<hbm>>)
    return
  }
}

</mosaic_0001>

<sc_bundles>
// kernel: kernel.3.cloned.1.call-start
scs
__scs_entry_jumppad:
0x0: {  	(pc) =	sbr.rel $0x88, $3  }
0x1: {  	(tag) =	ssettag $0x0;
	lr =	simm.s32 $0x1  }
0x2: {  	[smem:$0x3F9E] =	sst lr;
	_ =	strace $0xD0000000  }
0x3: {  	_ = 	snop  }
0x4: {  	_ = 	snop  }
0x5: {  	_ = 	snop  }
0x6: {  	_ = 	snop  }
0x7: {  	_ = 	snop  }
__scs_overlays_trampoline_lowered:
0x8: {  	[smem:$0x3FAD] =	sst s0  }
0x9: {  	[smem:$0x3FAE] =	sst s1  }
0xa: {  	[smem:$0x3FAF] =	sst s2  }
0xb: {  	[smem:$0x3FB0] =	sst s3  }
0xc: {  	[smem:$0x3FB1] =	sst s4  }
0xd: {  	[smem:$0x3FB2] =	sst s5  }
0xe: {  	[smem:$0x3FB3] =	sst s6  }
0xf: {  	[smem:$0x3FB4] =	sst s7  }
0x10: {  	[smem:$0x3FB5] =	sst s8  }
0x11: {  	[smem:$0x3FB6] =	sst s9;
	s0 =	simm.s32 @!p0 $0x0  }
0x12: {  	s1 =	sld [smem:$0x3F9C];
	s0 =	simm.s32 @p0 $0x1  }
0x13: {  	[smem:$0x3FB7] =	sst s0;
	s0 =	simm.s32 @!p1 $0x0  }
0x14: {  	s2 =	sld [smem:$0x3F9B];
	s0 =	simm.s32 @p1 $0x1  }
0x15: {  	[smem:$0x3FB8] =	sst s0;
	s0 =	simm.s32 @!p2 $0x0  }
0x16: {  	s3 =	sld [smem:$0x3FDB];
	s0 =	simm.s32 @p2 $0x1  }
0x17: {  	s4 =	simm.s32 $0x1BF5;
	[smem:$0x3FBA] =	sst s0  }
0x18: {  	s0 =	sld [smem:$0x3F9D];
	_ =	swait.ge [sflag:s4], $0x0  }
0x19: {  	s7 =	sld [smem:$0x3F9E]  }
0x1a: {  	s8 =	sadd.s32 $0xFFFFE003, lr  }
0x1b: {  	s9 =	sadd.s32 $0xFFFFFEF7, lr;
	s5 =	simm.s32 $0xFFFFFFFF;
	p2 =	slt.u32 s8, $0xFFFFF086  }
0x1c: {  	p1 =	slt.u32 s9, $0xF7A;
	s5 =	simm.s32 @!p2 $0x0  }
0x1d: {  	s5 =	simm.s32 @p1 $0x1;
	p0 =	seq.s32 s7, s2  }
0x1e: {  	s7 =	smul.u32 @!p0 $0xF7A, s2;
	p2 =	seq.s32 @!p0 s5, $0x0  }
0x1f: {  	s9 =	smul.u32 $0xF7A, s1;
	s8 =	simm.s32 @!p0 $0x1BF5;
	p2 =	por !p2, p0  }
0x20: {  	[sflag:s8] =	ssyncset.s32 @!p0 $0xFFFFF086;
	s6 =	sadd.s32 @!p0 s3, s7;
	s7 =	simm.s32 @!p0 $0x108  }
0x21: {  	s3 =	sadd.s32 s3, s9;
	s6 =	sadd.s32 @!p0 $0x88, s6;
	s7 =	simm.s32 @p2 $0x1082  }
0x22: {  	[simem:s7], [sflag:s8] =	dma.local @!p0 [hbm:s6], $0xF7A  }
0x23: {  	s9 =	sor.u32 $0xD0000000, s2;
	s6 =	simm.s32 $0x108;
	_ =	swait.ge @!p0 [sflag:s8], $0x0  }
0x24: {  	s3 =	sadd.s32 $0x88, s3;
	s6 =	simm.s32 @!p1 $0x1082;
	[sflag:s4] =	ssyncset.s32 $0xFFFFF086  }
0x25: {  	[simem:s6], [sflag:s4] =	dma.local [hbm:s3], $0xF7A  }
0x26: {  	[smem:$0x3F9E] =	sst s1;
	(tag) =	ssettag s2;
	_ =	strace s9  }
0x27: {  	s1 =	sld [smem:$0x3FAE]  }
0x28: {  	s2 =	sld [smem:$0x3FAF]  }
0x29: {  	s4 =	sld [smem:$0x3FB1]  }
0x2a: {  	p0 =	seq.s32 s5, $0x0;
	s5 =	sld [smem:$0x3FB2]  }
0x2b: {  	s6 =	sld [smem:$0x3FB3]  }
0x2c: {  	s7 =	sld [smem:$0x3FB4]  }
0x2d: {  	s3 =	simm.s32 $0x108;
	s8 =	sld [smem:$0x3FB5]  }
0x2e: {  	s3 =	simm.s32 @!p0 $0x1082;
	s9 =	sld [smem:$0x3FB6]  }
0x2f: {  	lr =	sadd.s32 s0, s3;
	s0 =	sld [smem:$0x3FAD]  }
0x30: {  	s3 =	sld [smem:$0x3FB0]  }
0x31: {  	[smem:$0x3FB9] =	sst s10  }
0x32: {  	s10 =	sld [smem:$0x3FB7];
	_ =	sdelay $0x3  }
0x33: {  	p0 =	seq.s32 s10, $0x1;
	s10 =	sld [smem:$0x3FB9];
	_ =	sdelay $0x3  }
0x34: {  	[smem:$0x3FB9] =	sst s10  }
0x35: {  	s10 =	sld [smem:$0x3FB8];
	_ =	sdelay $0x3  }
0x36: {  	p1 =	seq.s32 s10, $0x1;
	s10 =	sld [smem:$0x3FB9];
	_ =	sdelay $0x3  }
0x37: {  	[smem:$0x3FB9] =	sst s10  }
0x38: {  	s10 =	sld [smem:$0x3FBA]  }
0x39: {  	_ = 	snop;
	(pc) =	sbr.ind lr, $3  }
0x3a: {  	_ = 	snop  }
0x3b: {  	_ = 	snop  }
0x3c: {  	p2 =	seq.s32 s10, $0x1;
	s10 =	sld [smem:$0x3FB9]  }
0x3d: {  	_ =	shalt  }
0x3e: {  	_ =	shalt  }
0x3f: {  	_ =	shalt  }
0x40: {  	_ =	shalt  }
0x41: {  	_ =	shalt  }
0x42: {  	_ =	shalt  }
0x43: {  	_ =	shalt  }
0x44: {  	_ =	shalt  }
0x45: {  	_ =	shalt  }
0x46: {  	_ =	shalt  }
0x47: {  	_ =	shalt  }
0x48: {  	_ =	shalt  }
0x49: {  	_ =	shalt  }
0x4a: {  	_ =	shalt  }
0x4b: {  	_ =	shalt  }
0x4c: {  	_ =	shalt  }
0x4d: {  	_ =	shalt  }
0x4e: {  	_ =	shalt  }
0x4f: {  	_ =	shalt  }
0x50: {  	_ =	shalt  }
0x51: {  	_ =	shalt  }
0x52: {  	_ =	shalt  }
0x53: {  	_ =	shalt  }
0x54: {  	_ =	shalt  }
0x55: {  	_ =	shalt  }
0x56: {  	_ =	shalt  }
0x57: {  	_ =	shalt  }
0x58: {  	_ =	shalt  }
0x59: {  	_ =	shalt  }
0x5a: {  	_ =	shalt  }
0x5b: {  	_ =	shalt  }
0x5c: {  	_ =	shalt  }
0x5d: {  	_ =	shalt  }
0x5e: {  	_ =	shalt  }
0x5f: {  	_ =	shalt  }
0x60: {  	_ =	shalt  }
0x61: {  	_ =	shalt  }
0x62: {  	_ =	shalt  }
0x63: {  	_ =	shalt  }
0x64: {  	_ =	shalt  }
0x65: {  	_ =	shalt  }
0x66: {  	_ =	shalt  }
0x67: {  	_ =	shalt  }
0x68: {  	_ =	shalt  }
0x69: {  	_ =	shalt  }
0x6a: {  	_ =	shalt  }
0x6b: {  	_ =	shalt  }
0x6c: {  	_ =	shalt  }
0x6d: {  	_ =	shalt  }
0x6e: {  	_ =	shalt  }
0x6f: {  	_ =	shalt  }
0x70: {  	_ =	shalt  }
0x71: {  	_ =	shalt  }
0x72: {  	_ =	shalt  }
0x73: {  	_ =	shalt  }
0x74: {  	_ =	shalt  }
0x75: {  	_ =	shalt  }
0x76: {  	_ =	shalt  }
0x77: {  	_ =	shalt  }
0x78: {  	_ =	shalt  }
0x79: {  	_ =	shalt  }
0x7a: {  	_ =	shalt  }
0x7b: {  	_ =	shalt  }
0x7c: {  	_ =	shalt  }
0x7d: {  	_ =	shalt  }
0x7e: {  	_ =	shalt  }
0x7f: {  	_ =	shalt  }
0x80: {  	_ =	shalt  }
0x81: {  	_ =	shalt  }
0x82: {  	_ =	shalt  }
0x83: {  	_ =	shalt  }
0x84: {  	_ =	shalt  }
0x85: {  	_ =	shalt  }
0x86: {  	_ =	shalt  }
0x87: {  	_ =	shalt  }
.Lfunc_end0:
.L_simem_size_0:
called_computation_lowered:
.L_overlay_start_0:
0x88: {  	s2 =	sld [smem:$0x3FD9]  }
0x89: {  	s3 =	sld [smem:$0x3FFE];
	_ =	sdelay $0x1  }
0x8a: {  	s1 =	srdreg.scid  }
0x8b: {  	s0 =	sand.u32 $0x1, s1  }
0x8c: {  	s16 =	sshll.u32 s0, $0xA;
	s2 =	sadd.s32 s3, s2  }
0x8d: {  	s2 =	sadd.s32 s2, s16  }
0x8e: {  	[smem:$0x3FC5] =	sst s2  }
0x8f: {  	_ = 	snop  }
0x90: {  	(tm) =	ssettm $0x1  }
0x91: {  	s17 =	sld [smem:$0x3FFB];
	_ =	sdelay $0x3  }
0x92: {  	_ =	strace s17  }
0x93: {  	s2 =	sld [smem:$0x3FFC];
	_ =	sdelay $0x3  }
0x94: {  	_ =	strace s2  }
0x95: {  	s2 =	sld [smem:$0x3FFD];
	_ =	sdelay $0x3  }
0x96: {  	_ =	strace s2  }
0x97: {  	_ =	strace $0x8FFFFFFF  }
0x98: {  	s18 =	sld [smem:$0x3FDB];
	_ =	sdelay $0x1  }
0x99: {  	s19 =	simm.s32 $_scs_section_size  }
0x9a: {  	s4 =	simm.s32 $_size__tile_overlayer_lowered;
	s5 =	simm.s32 $_tile_overlayer_lowered  }
0x9b: {  	s22 =	simm.s32 $0x1BFF;
	s21 =	sshll.u32 s5, $0x1;
	s2 =	sadd.s32 s19, s18  }
0x9c: {  	s6 =	simm.s32 $0x0;
	s20 =	sshll.u32 s4, $0x1;
	s4 =	sadd.s32 s21, s2  }
0x9d: {  	[timem:s6], [sflag:s22] =	dma.local [hbm:s4], s20  }
0x9e: {  	_ =	swait.ge [sflag:s22], s20  }
0x9f: {  	s3 =	ssub.s32 $0x0, s20;
	[sflag:s22] =	ssyncset.done $0x0  }
0xa0: {  	[sflag:s22] =	ssyncadd.s32 s3;
	_ =	sdelay $0x1  }
0xa1: {  	s23 =	simm.s32 $0x1B8B  }
0xa2: {  	_ =	swait.ge [sflag:s23], $0x1  }
0xa3: {  	[sflag:s23] =	ssyncset.done $0x0  }
0xa4: {  	s25 =	simm.s32 $0x1B8E;
	s24 =	sld [smem:$0x3FFE];
	[sflag:s23] =	ssyncadd.s32 $0xFFFFFFFF  }
0xa5: {  	s26 =	simm.s32 $execute0_lowered;
	[smem:$0x3FD2] =	sst s25  }
0xa6: {  	s4 =	sshll.u32 s26, $0x1;
	_ =	strace $0x80000046;
	[dreg:$0x1] =	wrdreg $0xFFFFFFFF  }
0xa7: {  	s28 =	simm.s32 $_size_execute0_lowered;
	s2 =	sadd.s32 s2, s4;
	[dreg:$0x0] =	wrdreg $0x0  }
0xa8: {  	s4 =	sshll.u32 s28, $0x1;
	[dreg:$0x2] =	wrdreg s2  }
0xa9: {  	[dreg:$0x3] =	wrdreg s4  }
0xaa: {  	[dreg:$0x4] =	wrdreg $0xC0  }
0xab: {  	_ =	task [dreg:s6], $0x5FFFF  }
0xac: {  	[dreg:$0x1] =	wrdreg $0xFFFFFFFF  }
0xad: {  	[dreg:$0x0] =	wrdreg $0x60  }
0xae: {  	[dreg:$0x2] =	wrdreg s24  }
0xaf: {  	[dreg:$0x3] =	wrdreg $0x64000  }
0xb0: {  	[dreg:$0x4] =	wrdreg $0x9  }
0xb1: {  	_ =	task.clear_ibuf [dreg:s6], $0x5FFFF;
	_ =	strace $0x90000046  }
0xb2: {  	s29 =	simm.s32 $0x9;
	_ =	strace $0x80000048  }
0xb3: {  	_ =	swait.ge [sflag:s29], $0x1  }
0xb4: {  	[sflag:s29] =	ssyncadd.s32 $0xFFFFFFFF  }
0xb5: {  	_ =	strace $0x90000048  }
0xb6: {  	_ =	sfence  }
0xb7: {  	s30 =	sld [smem:$0x0];
	_ =	sdelay $0x2  }
0xb8: {  	s31 =	sshll.u32 s1, $0xD;
	s1 =	sshrl.u32 s1, $0x2  }
0xb9: {  	s3 =	sand.u32 $0x4000, s31;
	s1 =	sadd.s32 s1, s30  }
0xba: {  	s0 =	sor.u32 s3, s0;
	s1 =	sshll.u32 s1, $0x11  }
0xbb: {  	s0 =	sor.u32 s1, s0  }
0xbc: {  	s0 =	sadd.s32 $0x8F2B, s0  }
0xbd: {  	[sflag:s0] =	ssyncadd.remote.s32 $0x1  }
0xbe: {  	_ =	sfence.sel $0xFFFF  }
0xbf: {  	[dreg:$0x0] =	wrdreg $0xFFFFFFFF;
	(pc) =	sbr.abs _section_cstart, $3  }
0xc0: {  	[dreg:$0x1] =	wrdreg $0xFFFFFFFF  }
0xc1: {  	_ =	task.clear_ibuf [dreg:s6], $0x2FFFF;
	_ =	strace $0x9FFFFFFF  }
0xc2: {  	(tm) =	ssettm $0x7FFFFFFF  }
0xc3: {  	_ =	shalt  }
tec
execute0_lowered:
.L_overlay_start_1:
0x0: {  	(tag) =	ssettag $0x1  }
0x1: {  	s0 =	srdreg.scid;
	s5 =	rddreg [dreg:$0x0]  }
0x2: {  	s9 =	stileid.u32;
	s1 =	rddreg [dreg:$0x1]  }
0x3: {  	s2 =	simm.s32 $0x0;
	s14 =	simm.s32 $0x6800;
	s15 =	simm.s32 $0x6940  }
0x4: {  	s16 =	simm.s32 $0x6850;
	s17 =	simm.s32 $0x10940;
	s18 =	simm.s32 $0x1  }
0x5: {  	s19 =	simm.s32 $0x68A0;
	s20 =	simm.s32 $0x2;
	s21 =	simm.s32 $0x68F0  }
0x6: {  	s22 =	simm.s32 $0x3;
	s23 =	simm.s32 $0x0;
	s6 =	sand.u32 $0x1, s0  }
0x7: {  	s31 =	sshll.u32 s9, $0x1;
	[smem:$0x7FF] =	sst s2;
	s11 =	smul.u32 $0x320000, s9  }
0x8: {  	s4 =	sadd.s32 $0x1A000, s5;
	s7 =	sor.u32 s6, s31;
	s13 =	smul.u32 $0x190000, s6  }
0x9: {  	p0 =	sne.s32 s9, $0x0;
	s10 =	ssub.s32 $0x2, s6;
	s3 =	smul.u32 $0x6400, s7  }
0xa: {  	_ =	strace $0x80000047;
	s7 =	smul.u32 $0xC80000, s7;
	s12 =	sshrl.u32 s10, $0x1  }
0xb: {  	s10 =	ssub.s32 s10, s12;
	s12 =	simm.s32 $0x5;
	s3 =	sshrl.u32 s3, $0x3  }
0xc: {  	s7 =	sshrl.u32 s7, $0x3;
	s9 =	smax.u32 s10, $0x1;
	s8 =	sadd.s32 s3, s5  }
0xd: {  	s3 =	sadd.s32 $0x800, s5;
	s5 =	sadd.s32 $0x164200, s5;
	s6 =	sadd.s32 $0x1000, s8  }
0xe: {  	s7 =	sadd.s32 s5, s7;
	s8 =	sadd.s32 s13, s11;
	s11 =	sshrl.u32 @!p0 s1, $0x3  }
0xf: {  	s13 =	simm.s32 $0x50;
	s7 =	sadd.s32 $0x18EC00, s7;
	s10 =	sadd.s32 s5, s8  }
.LBB2_1:
0x10: {  	s24 =	simm.s32 @!p0 $0x1C05  }
0x11: {  	[spmem:s11], [sflag:s24] =	dma.local @!p0 [hbm:s3], $0x800  }
0x12: {  	s24 =	simm.s32 @!p0 $0x5  }
0x13: {  	_ =	swait.ge @!p0 [sflag:s24], $0x800  }
0x14: {  	[sflag:s24] =	ssyncset.done @!p0 $0x0  }
0x15: {  	[sflag:s24] =	ssyncadd.s32 @!p0 $0xFFFFF800  }
0x16: {  	[bflag:$0x0] =	sbarrier.arrive $0xFFFF  }
0x17: {  	[tilespmem:s2], [sflag:$0x5] =	stream.linear.gather [hbm4b:s6+s2], $0x6400, $0x38;
	[tilespmem:$0x1A940] =	vst v63  }
0x18: {  	_ =	swait.ge [sflag:s12], $0x6400  }
0x19: {  	p1 =	por $0x1, $0x1;
	[sflag:s12] =	ssyncset.done $0x0  }
0x1a: {  	s24 =	simm.s32 @!p1 $0x3;
	[sflag:s12] =	ssyncadd.s32 $0xFFFF9C00  }
0x1b: {  	_ =	swait.ge @!p1 [sflag:s24], $0xA000  }
0x1c: {  	[sflag:s24] =	ssyncset.done @!p1 $0x0  }
0x1d: {  	[sflag:s24] =	ssyncadd.s32 @!p1 $0xFFFF6000  }
0x1e: {  	v0 =	vld [tilespmem:s13+$0xFFFFFFB0];
	_ =	sdelay $0x4  }
0x1f: {  	v1 =	vshrl.u32 v0, $0x5  }
0x20: {  	v0 =	vand.u32 $0x1F, v0;
	[tilespmem:$0x6800] =	vst v1  }
0x21: {  	[tilespmem:$0x68A0] =	vst v0  }
0x22: {  	v0 =	vld [tilespmem:s13+$0xFFFFFFC0];
	_ =	sdelay $0x4  }
0x23: {  	v1 =	vshrl.u32 v0, $0x5  }
0x24: {  	v0 =	vand.u32 $0x1F, v0;
	[tilespmem:$0x6810] =	vst v1  }
0x25: {  	[tilespmem:$0x68B0] =	vst v0  }
0x26: {  	v0 =	vld [tilespmem:s13+$0xFFFFFFD0];
	_ =	sdelay $0x4  }
0x27: {  	v1 =	vshrl.u32 v0, $0x5  }
0x28: {  	v0 =	vand.u32 $0x1F, v0;
	[tilespmem:$0x6820] =	vst v1  }
0x29: {  	[tilespmem:$0x68C0] =	vst v0  }
0x2a: {  	v0 =	vld [tilespmem:s13+$0xFFFFFFE0];
	_ =	sdelay $0x4  }
0x2b: {  	v1 =	vshrl.u32 v0, $0x5  }
0x2c: {  	v0 =	vand.u32 $0x1F, v0;
	[tilespmem:$0x6830] =	vst v1  }
0x2d: {  	[tilespmem:$0x68D0] =	vst v0  }
0x2e: {  	v0 =	vld [tilespmem:s13+$0xFFFFFFF0];
	_ =	sdelay $0x4  }
0x2f: {  	v1 =	vshrl.u32 v0, $0x5  }
0x30: {  	v0 =	vand.u32 $0x1F, v0;
	[tilespmem:$0x6840] =	vst v1  }
0x31: {  	s24 =	simm.s32 @!p1 $0x2;
	[tilespmem:$0x68E0] =	vst v0  }
0x32: {  	[tilespmem:s15], [sflag:$0x1] =	stream.indirect.gather [hbm4b:s4+s13], $0x200, s14, s13, $0xb8;
	[tilespmem:$0x1A940] =	vst v63  }
0x33: {  	s25 =	sadd.s32 @!p1 $0x0, s8;
	_ =	swait.ge @!p1 [sflag:s24], $0xA000  }
0x34: {  	s26 =	simm.s32 @!p1 $0x10940;
	s28 =	simm.s32 @!p1 $0x50;
	[sflag:s24] =	ssyncset.done @!p1 $0x0  }
0x35: {  	s29 =	simm.s32 @!p1 $0x68F0;
	s25 =	sadd.s32 @!p1 $0x1FFFEC00, s25;
	[sflag:s24] =	ssyncadd.s32 @!p1 $0xFFFF6000  }
0x36: {  	[tilespmem:s26], [sflag:$0x2] =	stream.indirect.gather.add.f32 @!p1 [spmem:s1], $0x200, s29, s28, $0xb8;
	[tilespmem:$0x1A940] =	vst v63  }
0x37: {  	s25 =	sand.u32 @!p1 $0x1FFFFC00, s25;
	_ =	swait.ge @!p1 [sflag:s24], $0xA000  }
0x38: {  	s25 =	sadd.s32 @!p1 s5, s25;
	[sflag:s24] =	ssyncset.done @!p1 $0x0  }
0x39: {  	s28 =	simm.s32 @!p1 $0x4;
	[sflag:s24] =	ssyncadd.s32 @!p1 $0xFFFF6000;
	s24 =	simm.s32 @!p1 $0x0  }
0x3a: {  	[hbm4b:s25+s24] =	stream.linear.scatter @!p1 [tilespmem:s26], [sflag:$0x4], $0xA000, $0x38;
	[tilespmem:$0x1A940] =	vst v63  }
0x3b: {  	_ =	swait.ge @!p1 [sflag:s28], $0xA000  }
0x3c: {  	[sflag:s28] =	ssyncset.done @!p1 $0x0  }
0x3d: {  	[sflag:s28] =	ssyncadd.s32 @!p1 $0xFFFF6000  }
0x3e: {  	v0 =	vld [tilespmem:s13+$0x0];
	_ =	sdelay $0x4  }
0x3f: {  	v1 =	vshrl.u32 v0, $0x5  }
0x40: {  	v0 =	vand.u32 $0x1F, v0;
	[tilespmem:$0x6850] =	vst v1  }
0x41: {  	[tilespmem:$0x68F0] =	vst v0  }
0x42: {  	v0 =	vld [tilespmem:s13+$0x10];
	_ =	sdelay $0x4  }
0x43: {  	v1 =	vshrl.u32 v0, $0x5  }
0x44: {  	v0 =	vand.u32 $0x1F, v0;
	[tilespmem:$0x6860] =	vst v1  }
0x45: {  	[tilespmem:$0x6900] =	vst v0  }
0x46: {  	v0 =	vld [tilespmem:s13+$0x20];
	_ =	sdelay $0x4  }
0x47: {  	v1 =	vshrl.u32 v0, $0x5  }
0x48: {  	v0 =	vand.u32 $0x1F, v0;
	[tilespmem:$0x6870] =	vst v1  }
0x49: {  	[tilespmem:$0x6910] =	vst v0  }
0x4a: {  	v0 =	vld [tilespmem:s13+$0x30];
	_ =	sdelay $0x4  }
0x4b: {  	v1 =	vshrl.u32 v0, $0x5  }
0x4c: {  	v0 =	vand.u32 $0x1F, v0;
	[tilespmem:$0x6880] =	vst v1  }
0x4d: {  	[tilespmem:$0x6920] =	vst v0  }
0x4e: {  	s25 =	simm.s32 $0x2800;
	s26 =	simm.s32 $0x50;
	s24 =	simm.s32 $0x0;
	v0 =	vld [tilespmem:s13+$0x40]  }
.LBB2_2:
0x4f: {  	_ =	sdelay $0x2  }
0x50: {  	s26 =	sadd.s32 $0xA0, s26;
	s28 =	smov.u32 s25;
	s25 =	sadd.s32 $0x2800, s25  }
0x51: {  	p1 =	sne.s32 s25, $0x190000;
	v1 =	vshrl.u32 v0, $0x5;
	v0 =	vand.u32 $0x1F, v0  }
0x52: {  	[tilespmem:$0x6890] =	vst v1  }
0x53: {  	[tilespmem:$0x6930] =	vst v0  }
0x54: {  	[tilespmem:s17], [sflag:$0x2] =	stream.indirect.gather [hbm4b:s4+s13], $0x200, s16, s13, $0xb8;
	[tilespmem:$0x1A940] =	vst v63  }
0x55: {  	_ =	swait.ge [sflag:s18], $0xA000  }
0x56: {  	[sflag:s18] =	ssyncset.done $0x0  }
0x57: {  	[sflag:s18] =	ssyncadd.s32 $0xFFFF6000  }
0x58: {  	[tilespmem:s15], [sflag:$0x1] =	stream.indirect.gather.add.f32 [spmem:s1], $0x200, s19, s13, $0xb8;
	[tilespmem:$0x1A940] =	vst v63  }
0x59: {  	s29 =	sadd.s32 s24, s10;
	p2 =	seq.s32 s28, $0x0;
	_ =	swait.ge [sflag:s18], $0xA000  }
0x5a: {  	s30 =	simm.s32 @!p2 $0x3;
	s24 =	sadd.s32 @!p2 s28, s8;
	[sflag:s18] =	ssyncset.done $0x0  }
0x5b: {  	s31 =	sadd.s32 @!p2 $0x1FFFEC00, s24;
	s24 =	smov.u32 s28;
	[sflag:s18] =	ssyncadd.s32 $0xFFFF6000  }
0x5c: {  	[hbm4b:s29+s2] =	stream.linear.scatter [tilespmem:s15], [sflag:$0x3], $0xA000, $0x38;
	[tilespmem:$0x1A940] =	vst v63  }
0x5d: {  	s28 =	sand.u32 @!p2 $0x1FFFFC00, s31;
	_ =	swait.ge @!p2 [sflag:s30], $0xA000  }
0x5e: {  	s28 =	sadd.s32 @!p2 s5, s28;
	[sflag:s30] =	ssyncset.done @!p2 $0x0  }
0x5f: {  	[sflag:s30] =	ssyncadd.s32 @!p2 $0xFFFF6000  }
0x60: {  	v0 =	vld [tilespmem:s26+$0xFFFFFFB0];
	_ =	sdelay $0x4  }
0x61: {  	v1 =	vshrl.u32 v0, $0x5;
	v0 =	vand.u32 $0x1F, v0  }
0x62: {  	[tilespmem:$0x6800] =	vst v1  }
0x63: {  	[tilespmem:$0x68A0] =	vst v0  }
0x64: {  	v0 =	vld [tilespmem:s26+$0xFFFFFFC0];
	_ =	sdelay $0x4  }
0x65: {  	v1 =	vshrl.u32 v0, $0x5;
	v0 =	vand.u32 $0x1F, v0  }
0x66: {  	[tilespmem:$0x6810] =	vst v1  }
0x67: {  	[tilespmem:$0x68B0] =	vst v0  }
0x68: {  	v0 =	vld [tilespmem:s26+$0xFFFFFFD0];
	_ =	sdelay $0x4  }
0x69: {  	v1 =	vshrl.u32 v0, $0x5;
	v0 =	vand.u32 $0x1F, v0  }
0x6a: {  	[tilespmem:$0x6820] =	vst v1  }
0x6b: {  	[tilespmem:$0x68C0] =	vst v0  }
0x6c: {  	v0 =	vld [tilespmem:s26+$0xFFFFFFE0];
	_ =	sdelay $0x4  }
0x6d: {  	v1 =	vshrl.u32 v0, $0x5;
	v0 =	vand.u32 $0x1F, v0  }
0x6e: {  	[tilespmem:$0x6830] =	vst v1  }
0x6f: {  	[tilespmem:$0x68D0] =	vst v0  }
0x70: {  	v0 =	vld [tilespmem:s26+$0xFFFFFFF0];
	_ =	sdelay $0x4  }
0x71: {  	v1 =	vshrl.u32 v0, $0x5;
	v0 =	vand.u32 $0x1F, v0  }
0x72: {  	[tilespmem:$0x6840] =	vst v1  }
0x73: {  	s29 =	simm.s32 @!p2 $0x2;
	[tilespmem:$0x68E0] =	vst v0  }
0x74: {  	[tilespmem:s15], [sflag:$0x1] =	stream.indirect.gather [hbm4b:s4+s13], $0x200, s14, s13, $0xb8;
	[tilespmem:$0x1A940] =	vst v63  }
0x75: {  	_ =	swait.ge @!p2 [sflag:s29], $0xA000  }
0x76: {  	s30 =	simm.s32 @!p2 $0x10940;
	[sflag:s29] =	ssyncset.done @!p2 $0x0  }
0x77: {  	s0 =	simm.s32 @!p2 $0x68F0;
	s31 =	simm.s32 @!p2 $0x50;
	[sflag:s29] =	ssyncadd.s32 @!p2 $0xFFFF6000  }
0x78: {  	[tilespmem:s30], [sflag:$0x2] =	stream.indirect.gather.add.f32 @!p2 [spmem:s1], $0x200, s0, s31, $0xb8;
	[tilespmem:$0x1A940] =	vst v63  }
0x79: {  	_ =	swait.ge @!p2 [sflag:s29], $0xA000  }
0x7a: {  	[sflag:s29] =	ssyncset.done @!p2 $0x0  }
0x7b: {  	s0 =	simm.s32 @!p2 $0x0;
	[sflag:s29] =	ssyncadd.s32 @!p2 $0xFFFF6000;
	s29 =	simm.s32 @!p2 $0x4  }
0x7c: {  	[hbm4b:s28+s0] =	stream.linear.scatter @!p2 [tilespmem:s30], [sflag:$0x4], $0xA000, $0x38;
	[tilespmem:$0x1A940] =	vst v63  }
0x7d: {  	_ =	swait.ge @!p2 [sflag:s29], $0xA000  }
0x7e: {  	[sflag:s29] =	ssyncset.done @!p2 $0x0  }
0x7f: {  	[sflag:s29] =	ssyncadd.s32 @!p2 $0xFFFF6000  }
0x80: {  	v0 =	vld [tilespmem:s26+$0x0];
	_ =	sdelay $0x4  }
0x81: {  	v1 =	vshrl.u32 v0, $0x5;
	v0 =	vand.u32 $0x1F, v0  }
0x82: {  	[tilespmem:$0x6850] =	vst v1  }
0x83: {  	[tilespmem:$0x68F0] =	vst v0  }
0x84: {  	v0 =	vld [tilespmem:s26+$0x10];
	_ =	sdelay $0x4  }
0x85: {  	v1 =	vshrl.u32 v0, $0x5;
	v0 =	vand.u32 $0x1F, v0  }
0x86: {  	[tilespmem:$0x6860] =	vst v1  }
0x87: {  	[tilespmem:$0x6900] =	vst v0  }
0x88: {  	v0 =	vld [tilespmem:s26+$0x20];
	_ =	sdelay $0x4  }
0x89: {  	v1 =	vshrl.u32 v0, $0x5;
	v0 =	vand.u32 $0x1F, v0  }
0x8a: {  	[tilespmem:$0x6870] =	vst v1  }
0x8b: {  	[tilespmem:$0x6910] =	vst v0  }
0x8c: {  	v0 =	vld [tilespmem:s26+$0x30];
	_ =	sdelay $0x3  }
.Ltmp0:
0x8d: {  	(pc) =	sbr.rel @p1 .LBB2_2-.Ltmp0, $4  }
0x8e: {  	v1 =	vshrl.u32 v0, $0x5;
	v0 =	vand.u32 $0x1F, v0  }
0x8f: {  	[tilespmem:$0x6880] =	vst v1  }
0x90: {  	[tilespmem:$0x6920] =	vst v0  }
0x91: {  	v0 =	vld [tilespmem:s26+$0x40]  }
0x92: {  	_ =	sdelay $0x3  }
0x93: {  	v1 =	vshrl.u32 v0, $0x5  }
0x94: {  	v63 =	vand.u32 $0x1F, v0;
	[tilespmem:$0x6890] =	vst v1  }
0x95: {  	[tilespmem:$0x6930] =	vst v63  }
0x96: {  	[tilespmem:s17], [sflag:$0x2] =	stream.indirect.gather [hbm4b:s4+s13], $0x200, s16, s13, $0xb8;
	[tilespmem:$0x1A940] =	vst v63  }
0x97: {  	_ =	swait.ge [sflag:s18], $0xA000  }
0x98: {  	[sflag:s18] =	ssyncset.done $0x0  }
0x99: {  	[sflag:s18] =	ssyncadd.s32 $0xFFFF6000  }
0x9a: {  	[tilespmem:s15], [sflag:$0x1] =	stream.indirect.gather.add.f32 [spmem:s1], $0x200, s19, s13, $0xb8;
	[tilespmem:$0x1A940] =	vst v63  }
0x9b: {  	_ =	swait.ge [sflag:s18], $0xA000  }
0x9c: {  	[sflag:s18] =	ssyncset.done $0x0  }
0x9d: {  	s0 =	sadd.s32 s24, s10;
	[sflag:s18] =	ssyncadd.s32 $0xFFFF6000  }
0x9e: {  	[hbm4b:s0+s2] =	stream.linear.scatter [tilespmem:s15], [sflag:$0x3], $0xA000, $0x38;
	[tilespmem:$0x1A940] =	vst v63  }
0x9f: {  	_ =	swait.ge [sflag:s20], $0xA000  }
0xa0: {  	[sflag:s20] =	ssyncset.done $0x0  }
0xa1: {  	[sflag:s20] =	ssyncadd.s32 $0xFFFF6000  }
0xa2: {  	[tilespmem:s17], [sflag:$0x2] =	stream.indirect.gather.add.f32 [spmem:s1], $0x200, s21, s13, $0xb8;
	[tilespmem:$0x1A940] =	vst v63  }
0xa3: {  	_ =	swait.ge [sflag:s20], $0xA000  }
0xa4: {  	[sflag:s20] =	ssyncset.done $0x0  }
0xa5: {  	s23 =	sadd.s32 $0x1, s23;
	[sflag:s20] =	ssyncadd.s32 $0xFFFF6000  }
0xa6: {  	[hbm4b:s7+s2] =	stream.linear.scatter [tilespmem:s17], [sflag:$0x5], $0xA000, $0x38;
	[tilespmem:$0x1A940] =	vst v63  }
0xa7: {  	p1 =	sne.s32 s23, s9;
	_ =	swait.ge [sflag:s12], $0xA000  }
.Ltmp1:
0xa8: {  	[sflag:s12] =	ssyncset.done $0x0;
	(pc) =	sbr.rel @p1 .LBB2_1-.Ltmp1, $4  }
0xa9: {  	[sflag:s12] =	ssyncadd.s32 $0xFFFF6000  }
0xaa: {  	_ =	swait.ge [sflag:s22], $0xA000  }
0xab: {  	[sflag:s22] =	ssyncset.done $0x0  }
0xac: {  	[sflag:s22] =	ssyncadd.s32 $0xFFFF6000  }
0xad: {  	_ =	sfence.sel $0x180000  }
0xae: {  	[bflag:$0x0] =	sbarrier.arrive $0xFFFF  }
0xaf: {  	_ =	strace $0x90000047  }
0xb0: {  	[bflag:$0x2] =	sbarrier.arrive $0xFFFF  }
0xb1: {  	s0 =	rddreg [dreg:$0x2]  }
0xb2: {  	s0 =	sadd.s32 @!p0 $0x100000, s0  }
0xb3: {  	[sflag:s0] =	ssyncadd.tile.s32 @!p0 $0x1;
	_ =	shalt  }
.Lfunc_end2:
_tile_overlayer_lowered:
.L_overlay_start_2:
0xb4: {  	(tag) =	ssettag $0x2  }
0xb5: {  	s0 =	rddreg [dreg:$0x0];
	s2 =	stileid.u32  }
0xb6: {  	s1 =	rddreg [dreg:$0x1];
	p0 =	sne.s32 s2, $0x0  }
0xb7: {  	s3 =	rddreg [dreg:$0x2];
	[bflag:$0x3] =	sbarrier.arrive $0xFFFF;
	s2 =	simm.s32 @!p0 $0x1C05  }
0xb8: {  	[timem:s3], [sflag:s2] =	dma.local @!p0 [hbm:s0], s1  }
0xb9: {  	s0 =	simm.s32 @!p0 $0x5  }
0xba: {  	_ =	swait.ge @!p0 [sflag:s0], s1  }
0xbb: {  	s1 =	ssub.s32 @!p0 $0x0, s1;
	[sflag:s0] =	ssyncset.done @!p0 $0x0  }
0xbc: {  	[sflag:s0] =	ssyncadd.s32 @!p0 s1  }
0xbd: {  	[bflag:$0x3] =	sbarrier.arrive $0xFFFF  }
0xbe: {  	_ =	shalt  }

</sc_bundles>
